<compile_context>
chip_gen: v7x
topology: tpu7x:2x2x1
jax: 0.10.2.dev20260603
libtpu: 0.0.44.dev20260713+nightly
codegen_flags: <defaults>
</compile_context>

<pallas_src>
import jax
import jax.numpy as jnp
from jax import lax
from jax.experimental import pallas as pl
from jax.experimental.pallas import tpu as pltpu
from jax.experimental.pallas import tpu_sc as plsc

_N = 8192
_E = 262144
_NC = 2
_NS = 16
_L = 16
_NW = _NC * _NS
_CHUNK = _E // _NW


def _gather_body(e0_hbm, e1_hbm, score_hbm, out_hbm, e0_v, e1_v, out_v, sem):
    wid = lax.axis_index("s") * _NC + lax.axis_index("c")
    base = pl.multiple_of(wid * _CHUNK, _CHUNK)
    cp0 = pltpu.async_copy(e0_hbm.at[pl.ds(base, _CHUNK)], e0_v, sem)
    cp1 = pltpu.async_copy(e1_hbm.at[pl.ds(base, _CHUNK)], e1_v, sem)
    cp0.wait()
    cp1.wait()

    def step(k, carry):
        b = k * _L
        r = e0_v[pl.ds(b, _L)]
        c = e1_v[pl.ds(b, _L)]
        idx = ((r >> 3) << 16) | ((c >> 7) << 10) | ((r & 7) << 7) | (c & 127)
        pltpu.async_copy(score_hbm.at[idx], out_v.at[pl.ds(b, _L)], sem)
        return carry

    lax.fori_loop(0, _CHUNK // _L, step, 0)
    pltpu.make_async_copy(score_hbm.at[pl.ds(0, _CHUNK)], out_v, sem).wait()
    pltpu.sync_copy(out_v, out_hbm.at[pl.ds(base, _CHUNK)])


def kernel(inputs, edges, score_all):
    del inputs
    edges = edges.astype(jnp.int32)
    e0 = edges[:, 0]
    e1 = edges[:, 1]
    score_phys = (
        score_all.reshape(1024, 8, 64, 128)
        .transpose(0, 2, 1, 3)
        .reshape(_N * _N)
    )
    mesh = plsc.VectorSubcoreMesh(
        core_axis_name="c", subcore_axis_name="s",
        num_cores=_NC, num_subcores=_NS,
    )
    run = pl.kernel(
        _gather_body,
        out_type=jax.ShapeDtypeStruct((_E,), jnp.float32),
        mesh=mesh,
        compiler_params=pltpu.CompilerParams(
            needs_layout_passes=False,
            disable_bounds_checks=True,
            disable_semaphore_checks=True,
        ),
        scratch_types=[
            pltpu.VMEM((_CHUNK,), jnp.int32),
            pltpu.VMEM((_CHUNK,), jnp.int32),
            pltpu.VMEM((_CHUNK,), jnp.float32),
            pltpu.SemaphoreType.DMA,
        ],
    )
    return run(e0, e1, score_phys)

# --- scband reference (transcript-rebuilt; emitter-appended) ---
"""Pipeline reference for scband-leo-proximity-28295244546759 (READ-ONLY COPY).

The authoritative reference and input builder live on the scoring server;
editing this copy changes nothing except your own understanding.
"""

import jax, jax.numpy as jnp
import numpy as np

N = 8192
D = 128
E = 262144


def _cosine_similarity(feats):
    # sklearn-style cosine_similarity: normalize rows then inner product
    norms = jnp.linalg.norm(feats, axis=1, keepdims=True)
    norms = jnp.where(norms == 0.0, 1.0, norms)
    fn = feats / norms
    return fn @ fn.T


def setup_inputs(seed: int = 0) -> dict:
    key = jax.random.key(seed)
    k_feat, k_edge = jax.random.split(key)
    # 'inputs' arg is unused by the module's forward but required by signature
    inputs = jnp.zeros((1,), dtype=jnp.float32)
    # learned/buffered state: features -> precomputed cosine score_all (done in __init__)
    features = jax.random.normal(k_feat, (N, D), dtype=jnp.float32)
    score_all = _cosine_similarity(features)
    edges = jax.random.randint(k_edge, (E, 2), 0, N, dtype=jnp.int64)
    return {"inputs": inputs, "edges": edges, "score_all": score_all}


def reference(inputs, edges, score_all):
    # forward: score_all[edges[:, 0], edges[:, 1]] -- a pure 2D fancy-index gather
    return score_all[edges[:, 0], edges[:, 1]]

if __name__ == "__main__":
    import jax
    _d = setup_inputs()
    print(jax.jit(kernel)(*tuple(_d.values())))

</pallas_src>

<mosaic_0001>
#map = affine_map<(d0, d1) -> (0)>
module attributes {stable_mosaic.version = 14 : i64} {
  func.func @_gather_body(%arg0: i32, %arg1: i32, %arg2: memref<262144xi32, #tpu.memory_space<hbm>>, %arg3: memref<262144xi32, #tpu.memory_space<hbm>>, %arg4: memref<67108864xf32, #tpu.memory_space<hbm>>, %arg5: memref<262144xf32, #tpu.memory_space<hbm>>, %arg6: memref<8192xi32, #tpu.memory_space<vmem>>, %arg7: memref<8192xi32, #tpu.memory_space<vmem>>, %arg8: memref<8192xf32, #tpu.memory_space<vmem>>, %arg9: memref<!tpu.dma_semaphore, #tpu.memory_space<semaphore_mem>>) attributes {dimension_semantics = [#tpu.dimension_semantics<core_parallel>, #tpu.dimension_semantics<subcore_parallel>], iteration_bounds = array<i64: 2, 16>, scalar_prefetch = 0 : i64, scratch_operands = 4 : i64, tpu.core_type = #tpu.core_type<sc_vector_subcore>, window_params = [{transform_indices = #map}, {transform_indices = #map}, {transform_indices = #map}, {transform_indices = #map}]} {
    %mul3A = arith.constant 2 : i32
    %mul3A_0 = arith.muli %arg1, %mul3A : i32
    %add3A = arith.addi %mul3A_0, %arg0 : i32
    %mul3A_1 = arith.constant 8192 : i32
    %mul3A_2 = arith.muli %add3A, %mul3A_1 : i32
    %multiple_of3A = tpu.assume_multiple %mul3A_2, 8192 : i32
    %dma_start3A = tpu.memref_slice %arg2[%multiple_of3A] : memref<262144xi32, #tpu.memory_space<hbm>> -> memref<8192xi32, #tpu.memory_space<hbm>>
    %dma_start3A_3 = tpu.memref_slice %arg2[%multiple_of3A] : memref<262144xi32, #tpu.memory_space<hbm>> -> memref<8192xi32, #tpu.memory_space<hbm>>
    tpu.enqueue_dma source(%dma_start3A_3 : memref<8192xi32, #tpu.memory_space<hbm>>) target(%arg6 : memref<8192xi32, #tpu.memory_space<vmem>>) target_semaphore(%arg9 : memref<!tpu.dma_semaphore, #tpu.memory_space<semaphore_mem>>)
    %dma_start3A_4 = tpu.memref_slice %arg3[%multiple_of3A] : memref<262144xi32, #tpu.memory_space<hbm>> -> memref<8192xi32, #tpu.memory_space<hbm>>
    %dma_start3A_5 = tpu.memref_slice %arg3[%multiple_of3A] : memref<262144xi32, #tpu.memory_space<hbm>> -> memref<8192xi32, #tpu.memory_space<hbm>>
    tpu.enqueue_dma source(%dma_start3A_5 : memref<8192xi32, #tpu.memory_space<hbm>>) target(%arg7 : memref<8192xi32, #tpu.memory_space<vmem>>) target_semaphore(%arg9 : memref<!tpu.dma_semaphore, #tpu.memory_space<semaphore_mem>>)
    %dma_wait3A = tpu.memref_slice %arg2[%multiple_of3A] : memref<262144xi32, #tpu.memory_space<hbm>> -> memref<8192xi32, #tpu.memory_space<hbm>>
    %dma_wait3A_6 = tpu.memref_slice %arg2[%multiple_of3A] : memref<262144xi32, #tpu.memory_space<hbm>> -> memref<8192xi32, #tpu.memory_space<hbm>>
    tpu.wait_dma2 semaphore(%arg9 : memref<!tpu.dma_semaphore, #tpu.memory_space<semaphore_mem>>) src(%dma_wait3A_6 : memref<8192xi32, #tpu.memory_space<hbm>>) dst(%arg6 : memref<8192xi32, #tpu.memory_space<vmem>>)
    %dma_wait3A_7 = tpu.memref_slice %arg3[%multiple_of3A] : memref<262144xi32, #tpu.memory_space<hbm>> -> memref<8192xi32, #tpu.memory_space<hbm>>
    %dma_wait3A_8 = tpu.memref_slice %arg3[%multiple_of3A] : memref<262144xi32, #tpu.memory_space<hbm>> -> memref<8192xi32, #tpu.memory_space<hbm>>
    tpu.wait_dma2 semaphore(%arg9 : memref<!tpu.dma_semaphore, #tpu.memory_space<semaphore_mem>>) src(%dma_wait3A_8 : memref<8192xi32, #tpu.memory_space<hbm>>) dst(%arg7 : memref<8192xi32, #tpu.memory_space<vmem>>)
    %scan3A = arith.constant 0 : i32
    %scan3A_9 = arith.constant 0 : i32
    %scan3A_10 = arith.constant 512 : i32
    %scan3A_11 = arith.addi %scan3A_9, %scan3A_10 : i32
    %scan3A_12 = arith.constant 1 : i32
    scf.for %scan3A_18 = %scan3A_9 to %scan3A_11 step %scan3A_12  : i32 {
      %mul3A_19 = arith.constant 16 : i32
      %mul3A_20 = arith.muli %scan3A_18, %mul3A_19 : i32
      %get3A = arith.index_cast %mul3A_20 : i32 to index
      %get3A_21 = tpu.vector_load %arg6[%get3A] {strides = array<i32>} : memref<8192xi32, #tpu.memory_space<vmem>>, vector<16xi32>,
      %get3A_22 = arith.index_cast %mul3A_20 : i32 to index
      %get3A_23 = tpu.vector_load %arg7[%get3A_22] {strides = array<i32>} : memref<8192xi32, #tpu.memory_space<vmem>>, vector<16xi32>,
      %shift_right_arithmetic3A = arith.constant 3 : i32
      %shift_right_arithmetic3A_24 = vector.broadcast %shift_right_arithmetic3A : i32 to vector<16xi32>
      %shift_right_arithmetic3A_25 = arith.shrsi %get3A_21, %shift_right_arithmetic3A_24 : vector<16xi32>
      %shift_left3A = arith.constant 16 : i32
      %shift_left3A_26 = vector.broadcast %shift_left3A : i32 to vector<16xi32>
      %shift_left3A_27 = arith.shli %shift_right_arithmetic3A_25, %shift_left3A_26 : vector<16xi32>
      %shift_right_arithmetic3A_28 = arith.constant 7 : i32
      %shift_right_arithmetic3A_29 = vector.broadcast %shift_right_arithmetic3A_28 : i32 to vector<16xi32>
      %shift_right_arithmetic3A_30 = arith.shrsi %get3A_23, %shift_right_arithmetic3A_29 : vector<16xi32>
      %shift_left3A_31 = arith.constant 10 : i32
      %shift_left3A_32 = vector.broadcast %shift_left3A_31 : i32 to vector<16xi32>
      %shift_left3A_33 = arith.shli %shift_right_arithmetic3A_30, %shift_left3A_32 : vector<16xi32>
      %or3A = arith.ori %shift_left3A_27, %shift_left3A_33 : vector<16xi32>
      %and3A = arith.constant 7 : i32
      %and3A_34 = vector.broadcast %and3A : i32 to vector<16xi32>
      %and3A_35 = arith.andi %get3A_21, %and3A_34 : vector<16xi32>
      %shift_left3A_36 = arith.constant 7 : i32
      %shift_left3A_37 = vector.broadcast %shift_left3A_36 : i32 to vector<16xi32>
      %shift_left3A_38 = arith.shli %and3A_35, %shift_left3A_37 : vector<16xi32>
      %or3A_39 = arith.ori %or3A, %shift_left3A_38 : vector<16xi32>
      %and3A_40 = arith.constant 127 : i32
      %and3A_41 = vector.broadcast %and3A_40 : i32 to vector<16xi32>
      %and3A_42 = arith.andi %get3A_23, %and3A_41 : vector<16xi32>
      %or3A_43 = arith.ori %or3A_39, %and3A_42 : vector<16xi32>
      %dma_start3A_44 = tpu.memref_slice %arg8[%mul3A_20] : memref<8192xf32, #tpu.memory_space<vmem>> -> memref<16xf32, #tpu.memory_space<vmem>>
      %dma_start3A_45 = arith.constant 0 : i32
      %dma_start3A_46 = tpu.memref_slice %arg4[%dma_start3A_45] : memref<67108864xf32, #tpu.memory_space<hbm>> -> memref<67108864xf32, #tpu.memory_space<hbm>>
      tpu.enqueue_indirect_dma source(%dma_start3A_46 : memref<67108864xf32, #tpu.memory_space<hbm>>) target(%dma_start3A_44 : memref<16xf32, #tpu.memory_space<vmem>>) offsets(%or3A_43 : vector<16xi32>) semaphore(%arg9 : memref<!tpu.dma_semaphore, #tpu.memory_space<semaphore_mem>>)
    }
    %scan3A_13 = arith.constant 512 : i32
    %dma_wait3A_14 = arith.constant 0 : i32
    %dma_wait3A_15 = tpu.memref_slice %arg4[%dma_wait3A_14] : memref<67108864xf32, #tpu.memory_space<hbm>> -> memref<8192xf32, #tpu.memory_space<hbm>>
    %dma_wait3A_16 = arith.constant 0 : i32
    %dma_wait3A_17 = tpu.memref_slice %arg4[%dma_wait3A_16] : memref<67108864xf32, #tpu.memory_space<hbm>> -> memref<8192xf32, #tpu.memory_space<hbm>>
    tpu.wait_dma2 semaphore(%arg9 : memref<!tpu.dma_semaphore, #tpu.memory_space<semaphore_mem>>) src(%dma_wait3A_17 : memref<8192xf32, #tpu.memory_space<hbm>>) dst(%arg8 : memref<8192xf32, #tpu.memory_space<vmem>>)
    "tpu.region"() ({
      %run_scoped3A = tpu.sem_alloc : memref<!tpu.dma_semaphore, #tpu.memory_space<semaphore_mem>>
      %dma_start3A_18 = tpu.memref_slice %arg5[%multiple_of3A] : memref<262144xf32, #tpu.memory_space<hbm>> -> memref<8192xf32, #tpu.memory_space<hbm>>
      %dma_start3A_19 = tpu.memref_slice %arg5[%multiple_of3A] : memref<262144xf32, #tpu.memory_space<hbm>> -> memref<8192xf32, #tpu.memory_space<hbm>>
      tpu.enqueue_dma source(%arg8 : memref<8192xf32, #tpu.memory_space<vmem>>) target(%dma_start3A_19 : memref<8192xf32, #tpu.memory_space<hbm>>) target_semaphore(%run_scoped3A : memref<!tpu.dma_semaphore, #tpu.memory_space<semaphore_mem>>)
      %dma_wait3A_20 = tpu.memref_slice %arg5[%multiple_of3A] : memref<262144xf32, #tpu.memory_space<hbm>> -> memref<8192xf32, #tpu.memory_space<hbm>>
      %dma_wait3A_21 = tpu.memref_slice %arg5[%multiple_of3A] : memref<262144xf32, #tpu.memory_space<hbm>> -> memref<8192xf32, #tpu.memory_space<hbm>>
      tpu.wait_dma2 semaphore(%run_scoped3A : memref<!tpu.dma_semaphore, #tpu.memory_space<semaphore_mem>>) src(%arg8 : memref<8192xf32, #tpu.memory_space<vmem>>) dst(%dma_wait3A_21 : memref<8192xf32, #tpu.memory_space<hbm>>)
      tpu.yield
    }) : () -> ()
    return
  }
}

</mosaic_0001>

<sc_bundles>
// kernel: kernel.3.cloned.1.call-start
scs
__scs_entry_jumppad:
0x0: {  	(pc) =	sbr.rel $0x88, $3  }
0x1: {  	(tag) =	ssettag $0x0;
	lr =	simm.s32 $0x1  }
0x2: {  	[smem:$0x3F9F] =	sst lr;
	_ =	strace $0xD0000000  }
0x3: {  	_ = 	snop  }
0x4: {  	_ = 	snop  }
0x5: {  	_ = 	snop  }
0x6: {  	_ = 	snop  }
0x7: {  	_ = 	snop  }
__scs_overlays_trampoline_lowered:
0x8: {  	[smem:$0x3FAE] =	sst s0  }
0x9: {  	[smem:$0x3FAF] =	sst s1  }
0xa: {  	[smem:$0x3FB0] =	sst s2  }
0xb: {  	[smem:$0x3FB1] =	sst s3  }
0xc: {  	[smem:$0x3FB2] =	sst s4  }
0xd: {  	[smem:$0x3FB3] =	sst s5  }
0xe: {  	[smem:$0x3FB4] =	sst s6  }
0xf: {  	[smem:$0x3FB5] =	sst s7  }
0x10: {  	[smem:$0x3FB6] =	sst s8  }
0x11: {  	[smem:$0x3FB7] =	sst s9;
	s0 =	simm.s32 @!p0 $0x0  }
0x12: {  	s1 =	sld [smem:$0x3F9D];
	s0 =	simm.s32 @p0 $0x1  }
0x13: {  	[smem:$0x3FB8] =	sst s0;
	s0 =	simm.s32 @!p1 $0x0  }
0x14: {  	s2 =	sld [smem:$0x3F9C];
	s0 =	simm.s32 @p1 $0x1  }
0x15: {  	[smem:$0x3FB9] =	sst s0;
	s0 =	simm.s32 @!p2 $0x0  }
0x16: {  	s3 =	sld [smem:$0x3FDB];
	s0 =	simm.s32 @p2 $0x1  }
0x17: {  	s4 =	simm.s32 $0x1BF5;
	[smem:$0x3FBB] =	sst s0  }
0x18: {  	s0 =	sld [smem:$0x3F9E];
	_ =	swait.ge [sflag:s4], $0x0  }
0x19: {  	s7 =	sld [smem:$0x3F9F]  }
0x1a: {  	s8 =	sadd.s32 $0xFFFFE003, lr  }
0x1b: {  	s9 =	sadd.s32 $0xFFFFFEF7, lr;
	s5 =	simm.s32 $0xFFFFFFFF;
	p2 =	slt.u32 s8, $0xFFFFF086  }
0x1c: {  	p1 =	slt.u32 s9, $0xF7A;
	s5 =	simm.s32 @!p2 $0x0  }
0x1d: {  	s5 =	simm.s32 @p1 $0x1;
	p0 =	seq.s32 s7, s2  }
0x1e: {  	s7 =	smul.u32 @!p0 $0xF7A, s2;
	p2 =	seq.s32 @!p0 s5, $0x0  }
0x1f: {  	s9 =	smul.u32 $0xF7A, s1;
	s8 =	simm.s32 @!p0 $0x1BF5;
	p2 =	por !p2, p0  }
0x20: {  	[sflag:s8] =	ssyncset.s32 @!p0 $0xFFFFF086;
	s6 =	sadd.s32 @!p0 s3, s7;
	s7 =	simm.s32 @!p0 $0x108  }
0x21: {  	s3 =	sadd.s32 s3, s9;
	s6 =	sadd.s32 @!p0 $0x88, s6;
	s7 =	simm.s32 @p2 $0x1082  }
0x22: {  	[simem:s7], [sflag:s8] =	dma.local @!p0 [hbm:s6], $0xF7A  }
0x23: {  	s9 =	sor.u32 $0xD0000000, s2;
	s6 =	simm.s32 $0x108;
	_ =	swait.ge @!p0 [sflag:s8], $0x0  }
0x24: {  	s3 =	sadd.s32 $0x88, s3;
	s6 =	simm.s32 @!p1 $0x1082;
	[sflag:s4] =	ssyncset.s32 $0xFFFFF086  }
0x25: {  	[simem:s6], [sflag:s4] =	dma.local [hbm:s3], $0xF7A  }
0x26: {  	[smem:$0x3F9F] =	sst s1;
	(tag) =	ssettag s2;
	_ =	strace s9  }
0x27: {  	s1 =	sld [smem:$0x3FAF]  }
0x28: {  	s2 =	sld [smem:$0x3FB0]  }
0x29: {  	s4 =	sld [smem:$0x3FB2]  }
0x2a: {  	p0 =	seq.s32 s5, $0x0;
	s5 =	sld [smem:$0x3FB3]  }
0x2b: {  	s6 =	sld [smem:$0x3FB4]  }
0x2c: {  	s7 =	sld [smem:$0x3FB5]  }
0x2d: {  	s3 =	simm.s32 $0x108;
	s8 =	sld [smem:$0x3FB6]  }
0x2e: {  	s3 =	simm.s32 @!p0 $0x1082;
	s9 =	sld [smem:$0x3FB7]  }
0x2f: {  	lr =	sadd.s32 s0, s3;
	s0 =	sld [smem:$0x3FAE]  }
0x30: {  	s3 =	sld [smem:$0x3FB1]  }
0x31: {  	[smem:$0x3FBA] =	sst s10  }
0x32: {  	s10 =	sld [smem:$0x3FB8];
	_ =	sdelay $0x3  }
0x33: {  	p0 =	seq.s32 s10, $0x1;
	s10 =	sld [smem:$0x3FBA];
	_ =	sdelay $0x3  }
0x34: {  	[smem:$0x3FBA] =	sst s10  }
0x35: {  	s10 =	sld [smem:$0x3FB9];
	_ =	sdelay $0x3  }
0x36: {  	p1 =	seq.s32 s10, $0x1;
	s10 =	sld [smem:$0x3FBA];
	_ =	sdelay $0x3  }
0x37: {  	[smem:$0x3FBA] =	sst s10  }
0x38: {  	s10 =	sld [smem:$0x3FBB]  }
0x39: {  	_ = 	snop;
	(pc) =	sbr.ind lr, $3  }
0x3a: {  	_ = 	snop  }
0x3b: {  	_ = 	snop  }
0x3c: {  	p2 =	seq.s32 s10, $0x1;
	s10 =	sld [smem:$0x3FBA]  }
0x3d: {  	_ =	shalt  }
0x3e: {  	_ =	shalt  }
0x3f: {  	_ =	shalt  }
0x40: {  	_ =	shalt  }
0x41: {  	_ =	shalt  }
0x42: {  	_ =	shalt  }
0x43: {  	_ =	shalt  }
0x44: {  	_ =	shalt  }
0x45: {  	_ =	shalt  }
0x46: {  	_ =	shalt  }
0x47: {  	_ =	shalt  }
0x48: {  	_ =	shalt  }
0x49: {  	_ =	shalt  }
0x4a: {  	_ =	shalt  }
0x4b: {  	_ =	shalt  }
0x4c: {  	_ =	shalt  }
0x4d: {  	_ =	shalt  }
0x4e: {  	_ =	shalt  }
0x4f: {  	_ =	shalt  }
0x50: {  	_ =	shalt  }
0x51: {  	_ =	shalt  }
0x52: {  	_ =	shalt  }
0x53: {  	_ =	shalt  }
0x54: {  	_ =	shalt  }
0x55: {  	_ =	shalt  }
0x56: {  	_ =	shalt  }
0x57: {  	_ =	shalt  }
0x58: {  	_ =	shalt  }
0x59: {  	_ =	shalt  }
0x5a: {  	_ =	shalt  }
0x5b: {  	_ =	shalt  }
0x5c: {  	_ =	shalt  }
0x5d: {  	_ =	shalt  }
0x5e: {  	_ =	shalt  }
0x5f: {  	_ =	shalt  }
0x60: {  	_ =	shalt  }
0x61: {  	_ =	shalt  }
0x62: {  	_ =	shalt  }
0x63: {  	_ =	shalt  }
0x64: {  	_ =	shalt  }
0x65: {  	_ =	shalt  }
0x66: {  	_ =	shalt  }
0x67: {  	_ =	shalt  }
0x68: {  	_ =	shalt  }
0x69: {  	_ =	shalt  }
0x6a: {  	_ =	shalt  }
0x6b: {  	_ =	shalt  }
0x6c: {  	_ =	shalt  }
0x6d: {  	_ =	shalt  }
0x6e: {  	_ =	shalt  }
0x6f: {  	_ =	shalt  }
0x70: {  	_ =	shalt  }
0x71: {  	_ =	shalt  }
0x72: {  	_ =	shalt  }
0x73: {  	_ =	shalt  }
0x74: {  	_ =	shalt  }
0x75: {  	_ =	shalt  }
0x76: {  	_ =	shalt  }
0x77: {  	_ =	shalt  }
0x78: {  	_ =	shalt  }
0x79: {  	_ =	shalt  }
0x7a: {  	_ =	shalt  }
0x7b: {  	_ =	shalt  }
0x7c: {  	_ =	shalt  }
0x7d: {  	_ =	shalt  }
0x7e: {  	_ =	shalt  }
0x7f: {  	_ =	shalt  }
0x80: {  	_ =	shalt  }
0x81: {  	_ =	shalt  }
0x82: {  	_ =	shalt  }
0x83: {  	_ =	shalt  }
0x84: {  	_ =	shalt  }
0x85: {  	_ =	shalt  }
0x86: {  	_ =	shalt  }
0x87: {  	_ =	shalt  }
.Lfunc_end0:
.L_simem_size_0:
called_computation_lowered:
.L_overlay_start_0:
0x88: {  	s2 =	sld [smem:$0x3FD9]  }
0x89: {  	s3 =	sld [smem:$0x3FFE];
	_ =	sdelay $0x1  }
0x8a: {  	s1 =	srdreg.scid  }
0x8b: {  	s0 =	sand.u32 $0x1, s1  }
0x8c: {  	s17 =	sshll.u32 s0, $0xA;
	s2 =	sadd.s32 s3, s2  }
0x8d: {  	s2 =	sadd.s32 s2, s17  }
0x8e: {  	[smem:$0x3FC6] =	sst s2  }
0x8f: {  	_ = 	snop  }
0x90: {  	s2 =	sld [smem:$0x3FC8]  }
0x91: {  	s18 =	sld [smem:$0x3FD0];
	(tm) =	ssettm $0x1  }
0x92: {  	s4 =	sld [smem:$0x3FFB];
	_ =	sdelay $0x3  }
0x93: {  	_ =	strace s4  }
0x94: {  	s4 =	sld [smem:$0x3FFC];
	_ =	sdelay $0x3  }
0x95: {  	_ =	strace s4  }
0x96: {  	s4 =	sld [smem:$0x3FFD];
	_ =	sdelay $0x3  }
0x97: {  	_ =	strace s4  }
0x98: {  	_ =	strace $0x8FFFFFFF  }
0x99: {  	s19 =	sld [smem:$0x3FDB];
	_ =	sdelay $0x1  }
0x9a: {  	s5 =	simm.s32 $_scs_section_size  }
0x9b: {  	s6 =	simm.s32 $_size__tile_overlayer_lowered;
	s7 =	simm.s32 $_tile_overlayer_lowered  }
0x9c: {  	s22 =	simm.s32 $0x1BFF;
	s21 =	sshll.u32 s7, $0x1;
	s4 =	sadd.s32 s5, s19  }
0x9d: {  	s8 =	simm.s32 $0x0;
	s20 =	sshll.u32 s6, $0x1;
	s6 =	sadd.s32 s21, s4  }
0x9e: {  	[timem:s8], [sflag:s22] =	dma.local [hbm:s6], s20  }
0x9f: {  	_ =	swait.ge [sflag:s22], s20  }
0xa0: {  	s5 =	ssub.s32 $0x0, s20;
	[sflag:s22] =	ssyncset.done $0x0  }
0xa1: {  	[sflag:s22] =	ssyncadd.s32 s5;
	_ =	sdelay $0x1  }
0xa2: {  	s23 =	simm.s32 $0x1B8B  }
0xa3: {  	_ =	swait.ge [sflag:s23], $0x1  }
0xa4: {  	[sflag:s23] =	ssyncset.done $0x0  }
0xa5: {  	s25 =	simm.s32 $0x1B8E;
	s24 =	sld [smem:$0x3FFE];
	[sflag:s23] =	ssyncadd.s32 $0xFFFFFFFF  }
0xa6: {  	s26 =	simm.s32 $execute0_lowered;
	[smem:$0x3FD2] =	sst s25  }
0xa7: {  	s6 =	sshll.u32 s26, $0x1;
	_ =	strace $0x80000046;
	[dreg:$0x1] =	wrdreg $0xFFFFFFFF  }
0xa8: {  	s28 =	simm.s32 $_size_execute0_lowered;
	s4 =	sadd.s32 s4, s6;
	[dreg:$0x0] =	wrdreg $0x0  }
0xa9: {  	s6 =	sshll.u32 s28, $0x1;
	[dreg:$0x2] =	wrdreg s4  }
0xaa: {  	[dreg:$0x3] =	wrdreg s6  }
0xab: {  	[dreg:$0x4] =	wrdreg $0xC0  }
0xac: {  	_ =	task [dreg:s8], $0x5FFFF  }
0xad: {  	[dreg:$0x1] =	wrdreg $0xFFFFFFFF  }
0xae: {  	[dreg:$0x0] =	wrdreg $0x60  }
0xaf: {  	[dreg:$0x2] =	wrdreg s24  }
0xb0: {  	[dreg:$0x3] =	wrdreg s2  }
0xb1: {  	[dreg:$0x4] =	wrdreg s18  }
0xb2: {  	[dreg:$0x5] =	wrdreg $0x9  }
0xb3: {  	_ =	task.clear_ibuf [dreg:s8], $0x6FFFF;
	_ =	strace $0x90000046  }
0xb4: {  	s29 =	simm.s32 $0x9;
	_ =	strace $0x80000048  }
0xb5: {  	_ =	swait.ge [sflag:s29], $0x1  }
0xb6: {  	[sflag:s29] =	ssyncadd.s32 $0xFFFFFFFF  }
0xb7: {  	_ =	strace $0x90000048  }
0xb8: {  	_ =	sfence  }
0xb9: {  	s30 =	sld [smem:$0x0];
	_ =	sdelay $0x2  }
0xba: {  	s31 =	sshll.u32 s1, $0xD;
	s1 =	sshrl.u32 s1, $0x2  }
0xbb: {  	s3 =	sand.u32 $0x4000, s31;
	s1 =	sadd.s32 s1, s30  }
0xbc: {  	s0 =	sor.u32 s3, s0;
	s1 =	sshll.u32 s1, $0x11  }
0xbd: {  	s0 =	sor.u32 s1, s0  }
0xbe: {  	s0 =	sadd.s32 $0x8F2B, s0  }
0xbf: {  	[sflag:s0] =	ssyncadd.remote.s32 $0x1  }
0xc0: {  	_ =	sfence.sel $0xFFFF  }
0xc1: {  	[dreg:$0x0] =	wrdreg $0xFFFFFFFF;
	(pc) =	sbr.abs _section_cstart, $3  }
0xc2: {  	[dreg:$0x1] =	wrdreg $0xFFFFFFFF  }
0xc3: {  	_ =	task.clear_ibuf [dreg:s8], $0x2FFFF;
	_ =	strace $0x9FFFFFFF  }
0xc4: {  	(tm) =	ssettm $0x7FFFFFFF  }
0xc5: {  	_ =	shalt  }
tec
execute0_lowered:
.L_overlay_start_1:
0x0: {  	(tag) =	ssettag $0x1  }
0x1: {  	s4 =	rddreg [dreg:$0x0]  }
0x2: {  	s1 =	rddreg [dreg:$0x1]  }
0x3: {  	s6 =	rddreg [dreg:$0x2]  }
0x4: {  	s0 =	rddreg [dreg:$0x3];
	s5 =	srdreg.scid  }
0x5: {  	s3 =	simm.s32 $0x0;
	s2 =	stileid.u32;
	s10 =	simm.s32 $0x4000  }
0x6: {  	s11 =	simm.s32 $0x2;
	s12 =	simm.s32 $0x0;
	s5 =	sand.u32 $0x1, s5  }
0x7: {  	s7 =	sshll.u32 s2, $0xB;
	s8 =	sshll.u32 s5, $0xA;
	s5 =	ssub.s32 $0x2, s5  }
0x8: {  	[smem:$0x7FF] =	sst s3;
	s7 =	sor.u32 s8, s7;
	s31 =	sshrl.u32 s5, $0x1  }
0x9: {  	_ =	strace $0x80000047;
	s9 =	sadd.s32 s7, s4;
	s8 =	ssub.s32 s5, s31  }
0xa: {  	s6 =	sadd.s32 s6, s7;
	s4 =	sadd.s32 $0x8600, s9;
	s5 =	sadd.s32 $0x600, s9  }
0xb: {  	vm0 =	vmmov $0xffff;
	s7 =	smax.u32 s8, $0x1;
	s8 =	simm.s32 $0x2000;
	s9 =	simm.s32 $0x1  }
.LBB2_1:
0xc: {  	[tilespmem:s3], [sflag:$0x1] =	stream.linear.gather [hbm4b:s4+s3], $0x2000, $0x38;
	[tilespmem:$0x6000] =	vst v63  }
0xd: {  	_ = 	snop  }
0xe: {  	[tilespmem:s8], [sflag:$0x1] =	stream.linear.gather [hbm4b:s5+s3], $0x2000, $0x38;
	[tilespmem:$0x6000] =	vst v63  }
0xf: {  	_ =	swait.ge [sflag:s9], $0x2000  }
0x10: {  	[sflag:s9] =	ssyncset.done $0x0  }
0x11: {  	[sflag:s9] =	ssyncadd.s32 $0xFFFFE000  }
0x12: {  	_ =	swait.ge [sflag:s9], $0x2000  }
0x13: {  	[sflag:s9] =	ssyncset.done $0x0  }
0x14: {  	s13 =	simm.s32 $0x0;
	[sflag:s9] =	ssyncadd.s32 $0xFFFFE000  }
0x15: {  	s14 =	simm.s32 $0x40;
	v0 =	vld [tilespmem:s13+$0x0]  }
.LBB2_2:
0x16: {  	p0 =	sne.s32 s14, $0x7FC0  }
0x17: {  	v1 =	vld [tilespmem:s13+$0x2000];
	_ =	sdelay $0x2  }
0x18: {  	v2 =	vshll.u32 v0, $0xD;
	v0 =	vshll.u32 v0, $0x7  }
0x19: {  	v2 =	vand.u32 $0xFFFF0000, v2;
	v0 =	vand.u32 $0x380, v0  }
0x1a: {  	v3 =	vshll.u32 v1, $0x3;
	v1 =	vand.u32 $0x7F, v1;
	v0 =	vor.u32 v2, v0  }
0x1b: {  	v2 =	vand.u32 $0xFFFFFC00, v3;
	v0 =	vor.u32 v1, v0  }
0x1c: {  	v0 =	vor.u32 v2, v0;
	_ =	sdelay $0x1  }
.Ltmp0:
0x1d: {  	(pc) =	sbr.rel @p0 .LBB2_2-.Ltmp0, $4  }
0x1e: {  	_ = 	snop  }
0x1f: {  	s15 =	sadd.s32 $0x4000, s13;
	s13 =	sshra.s32 s14, $0x2  }
0x20: {  	[tilespmem:s15], [sflag:$0x1] =	stream.indirect_vreg.gather [hbm4b:s1+s3], $0x1, v0, vm0, $0xb8;
	[tilespmem:$0x6000] =	vst v63  }
0x21: {  	s14 =	sadd.s32 $0x40, s14;
	v0 =	vld [tilespmem:s13+$0x0]  }
0x22: {  	_ = 	snop  }
0x23: {  	v1 =	vld [tilespmem:s13+$0x2000];
	_ =	sdelay $0x2  }
0x24: {  	v2 =	vshll.u32 v0, $0xD;
	v62 =	vshll.u32 v0, $0x7  }
0x25: {  	v2 =	vand.u32 $0xFFFF0000, v2;
	v0 =	vand.u32 $0x380, v62  }
0x26: {  	v3 =	vshll.u32 v1, $0x3;
	v1 =	vand.u32 $0x7F, v1;
	v0 =	vor.u32 v2, v0  }
0x27: {  	v63 =	vand.u32 $0xFFFFFC00, v3;
	v0 =	vor.u32 v1, v0  }
0x28: {  	v0 =	vor.u32 v63, v0;
	_ =	sdelay $0x3  }
0x29: {  	s31 =	sadd.s32 $0x4000, s13  }
0x2a: {  	[tilespmem:s31], [sflag:$0x1] =	stream.indirect_vreg.gather [hbm4b:s1+s3], $0x1, v0, vm0, $0xb8;
	[tilespmem:$0x6000] =	vst v63  }
0x2b: {  	s12 =	sadd.s32 $0x1, s12;
	_ =	swait.ge [sflag:s9], $0x2000  }
0x2c: {  	p0 =	sne.s32 s12, s7;
	[sflag:s9] =	ssyncset.done $0x0  }
.Ltmp1:
0x2d: {  	[sflag:s9] =	ssyncadd.s32 $0xFFFFE000;
	(pc) =	sbr.rel @p0 .LBB2_1-.Ltmp1, $4  }
0x2e: {  	[hbm4b:s6+s3] =	stream.linear.scatter [tilespmem:s10], [sflag:$0x2], $0x2000, $0x38;
	[tilespmem:$0x6000] =	vst v63  }
0x2f: {  	_ =	swait.ge [sflag:s11], $0x2000  }
0x30: {  	[sflag:s11] =	ssyncset.done $0x0  }
0x31: {  	[sflag:s11] =	ssyncadd.s32 $0xFFFFE000  }
0x32: {  	_ =	sfence.sel $0x180000  }
0x33: {  	[bflag:$0x0] =	sbarrier.arrive $0xFFFF  }
0x34: {  	p0 =	sne.s32 s2, $0x0;
	_ =	strace $0x90000047  }
0x35: {  	s0 =	sadd.s32 @!p0 $0x100000, s0;
	[bflag:$0x2] =	sbarrier.arrive $0xFFFF  }
0x36: {  	[sflag:s0] =	ssyncadd.tile.s32 @!p0 $0x1;
	_ =	shalt  }
.Lfunc_end2:
_tile_overlayer_lowered:
.L_overlay_start_2:
0x37: {  	(tag) =	ssettag $0x2  }
0x38: {  	s0 =	rddreg [dreg:$0x0];
	s2 =	stileid.u32  }
0x39: {  	s1 =	rddreg [dreg:$0x1];
	p0 =	sne.s32 s2, $0x0  }
0x3a: {  	s3 =	rddreg [dreg:$0x2];
	[bflag:$0x3] =	sbarrier.arrive $0xFFFF;
	s2 =	simm.s32 @!p0 $0x1C02  }
0x3b: {  	[timem:s3], [sflag:s2] =	dma.local @!p0 [hbm:s0], s1  }
0x3c: {  	s0 =	simm.s32 @!p0 $0x2  }
0x3d: {  	_ =	swait.ge @!p0 [sflag:s0], s1  }
0x3e: {  	s1 =	ssub.s32 @!p0 $0x0, s1;
	[sflag:s0] =	ssyncset.done @!p0 $0x0  }
0x3f: {  	[sflag:s0] =	ssyncadd.s32 @!p0 s1  }
0x40: {  	[bflag:$0x3] =	sbarrier.arrive $0xFFFF  }
0x41: {  	_ =	shalt  }

</sc_bundles>
